<compile_context>
chip_gen: v7x
topology: tpu7x:2x2x1
jax: 0.10.2.dev20260603
libtpu: 0.0.44.dev20260713+nightly
codegen_flags: <defaults>
</compile_context>

<pallas_src>
import functools

import jax
import jax.numpy as jnp
from jax import lax
from jax.experimental import pallas as pl
from jax.experimental.pallas import tpu as pltpu
from jax.experimental.pallas import tpu_sc as plsc

N = 10000
E = 320000
D = 128
CW = 8
NC = 2
NS = 16
NW = NC * NS
K = 80
EK = E // K
CH = EK // NW
NP = 10112
NR = NP // NS


def _sc_accumulate():
    mesh = plsc.VectorSubcoreMesh(core_axis_name="c", subcore_axis_name="s")

    @functools.partial(
        pl.kernel,
        out_type=(
            jax.ShapeDtypeStruct((NC, NP, D), jnp.float32),
            jax.ShapeDtypeStruct((NC, NP, CW), jnp.float32),
        ),
        mesh=mesh,
        scratch_types=[
            pltpu.VMEM((CH, K), jnp.int32),
            pltpu.VMEM((CH, K), jnp.int32),
            pltpu.VMEM((K, D), jnp.float32),
            pltpu.VMEM((K, D), jnp.float32),
            pltpu.VMEM((K, CW), jnp.float32),
            pltpu.SemaphoreType.DMA,
            pltpu.SemaphoreType.DMA,
            pltpu.SemaphoreType.DMA,
            pltpu.VMEM_SHARED((NP, D), jnp.float32),
            pltpu.VMEM_SHARED((NP, CW), jnp.float32),
        ],
        compiler_params=pltpu.CompilerParams(use_tc_tiling_on_sc=False),
    )
    def sc_fn(x_hbm, edges_hbm, zsum_hbm, zcnt_hbm, ones_hbm,
              osum_hbm, ocnt_hbm,
              src_v, dst_v, rows0, rows1, ones_v, sem0, sem1, cs, acc, cnt):
        c = lax.axis_index("c")
        s = lax.axis_index("s")
        wid = s * NC + c

        pltpu.sync_copy(zsum_hbm, acc.at[pl.ds(s * NR, NR)])
        pltpu.sync_copy(zcnt_hbm, cnt.at[pl.ds(s * NR, NR)])
        pltpu.sync_copy(ones_hbm, ones_v)
        pltpu.sync_copy(edges_hbm.at[0, wid], src_v)
        pltpu.sync_copy(edges_hbm.at[1, wid], dst_v)
        plsc.subcore_barrier()

        pltpu.async_copy(x_hbm.at[src_v.at[0]], rows0, sem0)

        def body(k, carry):
            j = 2 * k
            pltpu.make_async_copy(x_hbm.at[src_v.at[j]], rows0, sem0).wait()
            pltpu.async_copy(x_hbm.at[src_v.at[j + 1]], rows1, sem1)
            pltpu.sync_copy(rows0, acc.at[dst_v.at[j]], add=True)
            pltpu.async_copy(ones_v, cnt.at[dst_v.at[j]], cs, add=True)
            pltpu.async_copy(x_hbm.at[src_v.at[j + 2]], rows0, sem0)
            pltpu.make_async_copy(x_hbm.at[src_v.at[j + 1]], rows1, sem1).wait()
            pltpu.sync_copy(rows1, acc.at[dst_v.at[j + 1]], add=True)
            pltpu.async_copy(ones_v, cnt.at[dst_v.at[j + 1]], cs, add=True)
            pltpu.make_async_copy(ones_v, cnt.at[dst_v.at[j]], cs).wait()
            pltpu.make_async_copy(ones_v, cnt.at[dst_v.at[j + 1]], cs).wait()
            return carry

        lax.fori_loop(0, (CH - 1) // 2, body, 0)
        pltpu.make_async_copy(x_hbm.at[src_v.at[CH - 1]], rows0, sem0).wait()
        pltpu.sync_copy(rows0, acc.at[dst_v.at[CH - 1]], add=True)
        pltpu.sync_copy(ones_v, cnt.at[dst_v.at[CH - 1]], add=True)
        plsc.subcore_barrier()

        pltpu.sync_copy(acc.at[pl.ds(s * NR, NR)],
                        osum_hbm.at[c, pl.ds(s * NR, NR)])
        pltpu.sync_copy(cnt.at[pl.ds(s * NR, NR)],
                        ocnt_hbm.at[c, pl.ds(s * NR, NR)])

    return sc_fn


def _tc_self(x, W_r, b_l):
    BN = 2000

    def body(x_ref, wr_ref, bl_ref, o_ref):
        o_ref[...] = (
            jnp.dot(x_ref[...], wr_ref[...], preferred_element_type=jnp.float32)
            + bl_ref[...]
        )

    return pl.pallas_call(
        body,
        grid=(N // BN,),
        in_specs=[
            pl.BlockSpec((BN, D), lambda i: (i, 0)),
            pl.BlockSpec((D, D), lambda i: (0, 0)),
            pl.BlockSpec((1, D), lambda i: (0, 0)),
        ],
        out_specs=pl.BlockSpec((BN, D), lambda i: (i, 0)),
        out_shape=jax.ShapeDtypeStruct((N, D), jnp.float32),
    )(x, W_r, b_l.reshape(1, D))


def _tc_finish(psum, pcnt, selfterm, W_l):
    BN = 2000

    def body(p_ref, c_ref, s_ref, wl_ref, o_ref):
        summed = p_ref[0] + p_ref[1]
        cnt = c_ref[0][:, 0:1] + c_ref[1][:, 0:1]
        mean = summed / jnp.maximum(cnt, 1.0)
        o_ref[...] = (
            jnp.dot(mean, wl_ref[...], preferred_element_type=jnp.float32)
            + s_ref[...]
        )

    return pl.pallas_call(
        body,
        grid=(N // BN,),
        in_specs=[
            pl.BlockSpec((NC, BN, D), lambda i: (0, i, 0)),
            pl.BlockSpec((NC, BN, CW), lambda i: (0, i, 0)),
            pl.BlockSpec((BN, D), lambda i: (i, 0)),
            pl.BlockSpec((D, D), lambda i: (0, 0)),
        ],
        out_specs=pl.BlockSpec((BN, D), lambda i: (i, 0)),
        out_shape=jax.ShapeDtypeStruct((N, D), jnp.float32),
    )(psum, pcnt, selfterm, W_l)


def kernel(x, edge_index, W_l, b_l, W_r):
    edges = edge_index.reshape(2, NW, CH, K)
    zsum = jnp.zeros((NR, D), jnp.float32)
    zcnt = jnp.zeros((NR, CW), jnp.float32)
    ones = jnp.ones((K, CW), jnp.float32)
    selfterm = _tc_self(x, W_r, b_l)
    psum, pcnt = _sc_accumulate()(x, edges, zsum, zcnt, ones)
    return _tc_finish(psum, pcnt, selfterm, W_l)

# --- scband reference (transcript-rebuilt; emitter-appended) ---
"""Pipeline reference for scband-gnnlayer-16999480558119 (READ-ONLY COPY).

The authoritative reference and input builder live on the scoring server;
editing this copy changes nothing except your own understanding.
"""

import jax, jax.numpy as jnp
import numpy as np

N = 10000
E = 320000
D_IN = 128
D_OUT = 128


def setup_inputs(seed: int = 0) -> dict:
    key = jax.random.key(seed)
    k1, k2, k3, k4, k5 = jax.random.split(key, 5)
    x = jax.random.normal(k1, (N, D_IN), dtype=jnp.float32)
    edge_index = jax.random.randint(k2, (2, E), 0, N, dtype=jnp.int32)
    # SAGEConv parameters (PyG): lin_l applied to aggregated neighbors (with bias),
    # lin_r applied to root/self features (no bias).
    bound = 1.0 / np.sqrt(D_IN)
    W_l = jax.random.uniform(k3, (D_IN, D_OUT), minval=-bound, maxval=bound, dtype=jnp.float32)
    b_l = jax.random.uniform(k4, (D_OUT,), minval=-bound, maxval=bound, dtype=jnp.float32)
    W_r = jax.random.uniform(k5, (D_IN, D_OUT), minval=-bound, maxval=bound, dtype=jnp.float32)
    return {"x": x, "edge_index": edge_index, "W_l": W_l, "b_l": b_l, "W_r": W_r}


def reference(x, edge_index, W_l, b_l, W_r):
    # GraphSAGE with mean aggregation (PyG SAGEConv, aggr='mean'):
    #   out = lin_l(mean_{j in N(i)} x_j) + lin_r(x_i)
    src = edge_index[0]
    dst = edge_index[1]
    msgs = jnp.take(x, src, axis=0)                       # gather: [E, D_in]
    summed = jax.ops.segment_sum(msgs, dst, num_segments=N)  # scatter-add: [N, D_in]
    cnt = jax.ops.segment_sum(jnp.ones((E,), dtype=x.dtype), dst, num_segments=N)
    mean = summed / jnp.clip(cnt, 1.0, None)[:, None]
    out = mean @ W_l + b_l + x @ W_r
    return out

if __name__ == "__main__":
    import jax
    _d = setup_inputs()
    print(jax.jit(kernel)(*tuple(_d.values())))

</pallas_src>

<mosaic_0001>
#map = affine_map<(d0, d1) -> (0, 0)>
#map1 = affine_map<(d0, d1) -> (0, 0, 0, 0)>
#map2 = affine_map<(d0, d1) -> (0, 0, 0)>
module attributes {stable_mosaic.version = 14 : i64} {
  func.func @sc_fn(%arg0: i32, %arg1: i32, %arg2: memref<10000x128xf32, #tpu.memory_space<hbm>>, %arg3: memref<2x32x125x80xi32, #tpu.memory_space<hbm>>, %arg4: memref<632x128xf32, #tpu.memory_space<hbm>>, %arg5: memref<632x8xf32, #tpu.memory_space<hbm>>, %arg6: memref<80x8xf32, #tpu.memory_space<hbm>>, %arg7: memref<2x10112x128xf32, #tpu.memory_space<hbm>>, %arg8: memref<2x10112x8xf32, #tpu.memory_space<hbm>>, %arg9: memref<125x80xi32, #tpu.memory_space<vmem>>, %arg10: memref<125x80xi32, #tpu.memory_space<vmem>>, %arg11: memref<80x128xf32, #tpu.memory_space<vmem>>, %arg12: memref<80x128xf32, #tpu.memory_space<vmem>>, %arg13: memref<80x8xf32, #tpu.memory_space<vmem>>, %arg14: memref<!tpu.dma_semaphore, #tpu.memory_space<semaphore_mem>>, %arg15: memref<!tpu.dma_semaphore, #tpu.memory_space<semaphore_mem>>, %arg16: memref<!tpu.dma_semaphore, #tpu.memory_space<semaphore_mem>>, %arg17: memref<10112x128xf32, #tpu.memory_space<vmem_shared>>, %arg18: memref<10112x8xf32, #tpu.memory_space<vmem_shared>>) attributes {dimension_semantics = [#tpu.dimension_semantics<core_parallel>, #tpu.dimension_semantics<subcore_parallel>], iteration_bounds = array<i64: 2, 16>, scalar_prefetch = 0 : i64, scratch_operands = 10 : i64, tpu.core_type = #tpu.core_type<sc_vector_subcore>, window_params = [{transform_indices = #map}, {transform_indices = #map1}, {transform_indices = #map}, {transform_indices = #map}, {transform_indices = #map}, {transform_indices = #map2}, {transform_indices = #map2}]} {
    %mul3A = arith.constant 2 : i32
    %mul3A_0 = arith.muli %arg1, %mul3A : i32
    %add3A = arith.addi %mul3A_0, %arg0 : i32
    %mul3A_1 = arith.constant 632 : i32
    %mul3A_2 = arith.muli %arg1, %mul3A_1 : i32
    "tpu.region"() ({
      %run_scoped3A_34 = tpu.sem_alloc : memref<!tpu.dma_semaphore, #tpu.memory_space<semaphore_mem>>
      %dma_start3A_35 = arith.constant 0 : i32
      %dma_start3A_36 = tpu.memref_slice %arg17[%mul3A_2, %dma_start3A_35] : memref<10112x128xf32, #tpu.memory_space<vmem_shared>> -> memref<632x128xf32, #tpu.memory_space<vmem_shared>>
      tpu.enqueue_dma source(%arg4 : memref<632x128xf32, #tpu.memory_space<hbm>>) target(%dma_start3A_36 : memref<632x128xf32, #tpu.memory_space<vmem_shared>>) target_semaphore(%run_scoped3A_34 : memref<!tpu.dma_semaphore, #tpu.memory_space<semaphore_mem>>)
      %dma_wait3A_37 = arith.constant 0 : i32
      %dma_wait3A_38 = tpu.memref_slice %arg17[%mul3A_2, %dma_wait3A_37] : memref<10112x128xf32, #tpu.memory_space<vmem_shared>> -> memref<632x128xf32, #tpu.memory_space<vmem_shared>>
      tpu.wait_dma2 semaphore(%run_scoped3A_34 : memref<!tpu.dma_semaphore, #tpu.memory_space<semaphore_mem>>) src(%arg4 : memref<632x128xf32, #tpu.memory_space<hbm>>) dst(%dma_wait3A_38 : memref<632x128xf32, #tpu.memory_space<vmem_shared>>)
      tpu.yield
    }) : () -> ()
    %mul3A_3 = arith.constant 632 : i32
    %mul3A_4 = arith.muli %arg1, %mul3A_3 : i32
    "tpu.region"() ({
      %run_scoped3A_34 = tpu.sem_alloc : memref<!tpu.dma_semaphore, #tpu.memory_space<semaphore_mem>>
      %dma_start3A_35 = arith.constant 0 : i32
      %dma_start3A_36 = tpu.memref_slice %arg18[%mul3A_4, %dma_start3A_35] : memref<10112x8xf32, #tpu.memory_space<vmem_shared>> -> memref<632x8xf32, #tpu.memory_space<vmem_shared>>
      tpu.enqueue_dma source(%arg5 : memref<632x8xf32, #tpu.memory_space<hbm>>) target(%dma_start3A_36 : memref<632x8xf32, #tpu.memory_space<vmem_shared>>) target_semaphore(%run_scoped3A_34 : memref<!tpu.dma_semaphore, #tpu.memory_space<semaphore_mem>>)
      %dma_wait3A_37 = arith.constant 0 : i32
      %dma_wait3A_38 = tpu.memref_slice %arg18[%mul3A_4, %dma_wait3A_37] : memref<10112x8xf32, #tpu.memory_space<vmem_shared>> -> memref<632x8xf32, #tpu.memory_space<vmem_shared>>
      tpu.wait_dma2 semaphore(%run_scoped3A_34 : memref<!tpu.dma_semaphore, #tpu.memory_space<semaphore_mem>>) src(%arg5 : memref<632x8xf32, #tpu.memory_space<hbm>>) dst(%dma_wait3A_38 : memref<632x8xf32, #tpu.memory_space<vmem_shared>>)
      tpu.yield
    }) : () -> ()
    "tpu.region"() ({
      %run_scoped3A_34 = tpu.sem_alloc : memref<!tpu.dma_semaphore, #tpu.memory_space<semaphore_mem>>
      tpu.enqueue_dma source(%arg6 : memref<80x8xf32, #tpu.memory_space<hbm>>) target(%arg13 : memref<80x8xf32, #tpu.memory_space<vmem>>) target_semaphore(%run_scoped3A_34 : memref<!tpu.dma_semaphore, #tpu.memory_space<semaphore_mem>>)
      tpu.wait_dma2 semaphore(%run_scoped3A_34 : memref<!tpu.dma_semaphore, #tpu.memory_space<semaphore_mem>>) src(%arg6 : memref<80x8xf32, #tpu.memory_space<hbm>>) dst(%arg13 : memref<80x8xf32, #tpu.memory_space<vmem>>)
      tpu.yield
    }) : () -> ()
    %run_scoped3A = arith.constant 0 : i32
    "tpu.region"() ({
      %run_scoped3A_34 = tpu.sem_alloc : memref<!tpu.dma_semaphore, #tpu.memory_space<semaphore_mem>>
      %dma_start3A_35 = arith.constant 0 : i32
      %dma_start3A_36 = arith.constant 0 : i32
      %dma_start3A_37 = tpu.memref_slice %arg3[%run_scoped3A, %add3A, %dma_start3A_35, %dma_start3A_36] : memref<2x32x125x80xi32, #tpu.memory_space<hbm>> -> memref<1x1x125x80xi32, #tpu.memory_space<hbm>>
      %dma_start3A_38 = tpu.memref_squeeze %dma_start3A_37 : memref<1x1x125x80xi32, #tpu.memory_space<hbm>> -> memref<125x80xi32, #tpu.memory_space<hbm>>
      %dma_start3A_39 = arith.constant 0 : i32
      %dma_start3A_40 = arith.constant 0 : i32
      %dma_start3A_41 = tpu.memref_slice %arg3[%run_scoped3A, %add3A, %dma_start3A_39, %dma_start3A_40] : memref<2x32x125x80xi32, #tpu.memory_space<hbm>> -> memref<1x1x125x80xi32, #tpu.memory_space<hbm>>
      %dma_start3A_42 = tpu.memref_squeeze %dma_start3A_41 : memref<1x1x125x80xi32, #tpu.memory_space<hbm>> -> memref<125x80xi32, #tpu.memory_space<hbm>>
      tpu.enqueue_dma source(%dma_start3A_42 : memref<125x80xi32, #tpu.memory_space<hbm>>) target(%arg9 : memref<125x80xi32, #tpu.memory_space<vmem>>) target_semaphore(%run_scoped3A_34 : memref<!tpu.dma_semaphore, #tpu.memory_space<semaphore_mem>>)
      %dma_wait3A_43 = arith.constant 0 : i32
      %dma_wait3A_44 = arith.constant 0 : i32
      %dma_wait3A_45 = tpu.memref_slice %arg3[%run_scoped3A, %add3A, %dma_wait3A_43, %dma_wait3A_44] : memref<2x32x125x80xi32, #tpu.memory_space<hbm>> -> memref<1x1x125x80xi32, #tpu.memory_space<hbm>>
      %dma_wait3A_46 = tpu.memref_squeeze %dma_wait3A_45 : memref<1x1x125x80xi32, #tpu.memory_space<hbm>> -> memref<125x80xi32, #tpu.memory_space<hbm>>
      %dma_wait3A_47 = arith.constant 0 : i32
      %dma_wait3A_48 = arith.constant 0 : i32
      %dma_wait3A_49 = tpu.memref_slice %arg3[%run_scoped3A, %add3A, %dma_wait3A_47, %dma_wait3A_48] : memref<2x32x125x80xi32, #tpu.memory_space<hbm>> -> memref<1x1x125x80xi32, #tpu.memory_space<hbm>>
      %dma_wait3A_50 = tpu.memref_squeeze %dma_wait3A_49 : memref<1x1x125x80xi32, #tpu.memory_space<hbm>> -> memref<125x80xi32, #tpu.memory_space<hbm>>
      tpu.wait_dma2 semaphore(%run_scoped3A_34 : memref<!tpu.dma_semaphore, #tpu.memory_space<semaphore_mem>>) src(%dma_wait3A_50 : memref<125x80xi32, #tpu.memory_space<hbm>>) dst(%arg9 : memref<125x80xi32, #tpu.memory_space<vmem>>)
      tpu.yield
    }) : () -> ()
    %run_scoped3A_5 = arith.constant 1 : i32
    "tpu.region"() ({
      %run_scoped3A_34 = tpu.sem_alloc : memref<!tpu.dma_semaphore, #tpu.memory_space<semaphore_mem>>
      %dma_start3A_35 = arith.constant 0 : i32
      %dma_start3A_36 = arith.constant 0 : i32
      %dma_start3A_37 = tpu.memref_slice %arg3[%run_scoped3A_5, %add3A, %dma_start3A_35, %dma_start3A_36] : memref<2x32x125x80xi32, #tpu.memory_space<hbm>> -> memref<1x1x125x80xi32, #tpu.memory_space<hbm>>
      %dma_start3A_38 = tpu.memref_squeeze %dma_start3A_37 : memref<1x1x125x80xi32, #tpu.memory_space<hbm>> -> memref<125x80xi32, #tpu.memory_space<hbm>>
      %dma_start3A_39 = arith.constant 0 : i32
      %dma_start3A_40 = arith.constant 0 : i32
      %dma_start3A_41 = tpu.memref_slice %arg3[%run_scoped3A_5, %add3A, %dma_start3A_39, %dma_start3A_40] : memref<2x32x125x80xi32, #tpu.memory_space<hbm>> -> memref<1x1x125x80xi32, #tpu.memory_space<hbm>>
      %dma_start3A_42 = tpu.memref_squeeze %dma_start3A_41 : memref<1x1x125x80xi32, #tpu.memory_space<hbm>> -> memref<125x80xi32, #tpu.memory_space<hbm>>
      tpu.enqueue_dma source(%dma_start3A_42 : memref<125x80xi32, #tpu.memory_space<hbm>>) target(%arg10 : memref<125x80xi32, #tpu.memory_space<vmem>>) target_semaphore(%run_scoped3A_34 : memref<!tpu.dma_semaphore, #tpu.memory_space<semaphore_mem>>)
      %dma_wait3A_43 = arith.constant 0 : i32
      %dma_wait3A_44 = arith.constant 0 : i32
      %dma_wait3A_45 = tpu.memref_slice %arg3[%run_scoped3A_5, %add3A, %dma_wait3A_43, %dma_wait3A_44] : memref<2x32x125x80xi32, #tpu.memory_space<hbm>> -> memref<1x1x125x80xi32, #tpu.memory_space<hbm>>
      %dma_wait3A_46 = tpu.memref_squeeze %dma_wait3A_45 : memref<1x1x125x80xi32, #tpu.memory_space<hbm>> -> memref<125x80xi32, #tpu.memory_space<hbm>>
      %dma_wait3A_47 = arith.constant 0 : i32
      %dma_wait3A_48 = arith.constant 0 : i32
      %dma_wait3A_49 = tpu.memref_slice %arg3[%run_scoped3A_5, %add3A, %dma_wait3A_47, %dma_wait3A_48] : memref<2x32x125x80xi32, #tpu.memory_space<hbm>> -> memref<1x1x125x80xi32, #tpu.memory_space<hbm>>
      %dma_wait3A_50 = tpu.memref_squeeze %dma_wait3A_49 : memref<1x1x125x80xi32, #tpu.memory_space<hbm>> -> memref<125x80xi32, #tpu.memory_space<hbm>>
      tpu.wait_dma2 semaphore(%run_scoped3A_34 : memref<!tpu.dma_semaphore, #tpu.memory_space<semaphore_mem>>) src(%dma_wait3A_50 : memref<125x80xi32, #tpu.memory_space<hbm>>) dst(%arg10 : memref<125x80xi32, #tpu.memory_space<vmem>>)
      tpu.yield
    }) : () -> ()
    %barrier3A = arith.constant 0 : index
    tpu.barrier barrier_id(%barrier3A)
    %dma_start3A = arith.constant 0 : i32
    %dma_start3A_6 = arith.constant 0 : i32
    %dma_start3A_7 = tpu.memref_slice %arg9[%dma_start3A, %dma_start3A_6] : memref<125x80xi32, #tpu.memory_space<vmem>> -> memref<1x80xi32, #tpu.memory_space<vmem>>
    %dma_start3A_8 = tpu.memref_squeeze %dma_start3A_7 : memref<1x80xi32, #tpu.memory_space<vmem>> -> memref<80xi32, #tpu.memory_space<vmem>>
    %dma_start3A_9 = arith.constant 0 : i32
    %dma_start3A_10 = arith.constant 0 : i32
    %dma_start3A_11 = tpu.memref_slice %arg2[%dma_start3A_9, %dma_start3A_10] : memref<10000x128xf32, #tpu.memory_space<hbm>> -> memref<10000x128xf32, #tpu.memory_space<hbm>>
    tpu.enqueue_indirect_dma source(%dma_start3A_11 : memref<10000x128xf32, #tpu.memory_space<hbm>>) target(%arg11 : memref<80x128xf32, #tpu.memory_space<vmem>>) offsets(%dma_start3A_8 : memref<80xi32, #tpu.memory_space<vmem>>) semaphore(%arg14 : memref<!tpu.dma_semaphore, #tpu.memory_space<semaphore_mem>>)
    %scan3A = arith.constant 0 : i32
    %scan3A_12 = arith.constant 0 : i32
    %scan3A_13 = arith.constant 62 : i32
    %scan3A_14 = arith.addi %scan3A_12, %scan3A_13 : i32
    %scan3A_15 = arith.constant 1 : i32
    scf.for %scan3A_34 = %scan3A_12 to %scan3A_14 step %scan3A_15  : i32 {
      %mul3A_35 = arith.constant 2 : i32
      %mul3A_36 = arith.muli %mul3A_35, %scan3A_34 : i32
      %dma_wait3A_37 = arith.constant 0 : i32
      %dma_wait3A_38 = tpu.memref_slice %arg9[%mul3A_36, %dma_wait3A_37] : memref<125x80xi32, #tpu.memory_space<vmem>> -> memref<1x80xi32, #tpu.memory_space<vmem>>
      %dma_wait3A_39 = tpu.memref_squeeze %dma_wait3A_38 : memref<1x80xi32, #tpu.memory_space<vmem>> -> memref<80xi32, #tpu.memory_space<vmem>>
      %dma_wait3A_40 = arith.constant 0 : i32
      %dma_wait3A_41 = arith.constant 0 : i32
      %dma_wait3A_42 = tpu.memref_slice %arg2[%dma_wait3A_40, %dma_wait3A_41] : memref<10000x128xf32, #tpu.memory_space<hbm>> -> memref<10000x128xf32, #tpu.memory_space<hbm>>
      tpu.wait_indirect_dma semaphore(%arg14 : memref<!tpu.dma_semaphore, #tpu.memory_space<semaphore_mem>>) src(%dma_wait3A_42 : memref<10000x128xf32, #tpu.memory_space<hbm>>) dst(%arg11 : memref<80x128xf32, #tpu.memory_space<vmem>>)
      %add3A_43 = arith.constant 1 : i32
      %add3A_44 = arith.addi %mul3A_36, %add3A_43 : i32
      %dma_start3A_45 = arith.constant 0 : i32
      %dma_start3A_46 = tpu.memref_slice %arg9[%add3A_44, %dma_start3A_45] : memref<125x80xi32, #tpu.memory_space<vmem>> -> memref<1x80xi32, #tpu.memory_space<vmem>>
      %dma_start3A_47 = tpu.memref_squeeze %dma_start3A_46 : memref<1x80xi32, #tpu.memory_space<vmem>> -> memref<80xi32, #tpu.memory_space<vmem>>
      %dma_start3A_48 = arith.constant 0 : i32
      %dma_start3A_49 = arith.constant 0 : i32
      %dma_start3A_50 = tpu.memref_slice %arg2[%dma_start3A_48, %dma_start3A_49] : memref<10000x128xf32, #tpu.memory_space<hbm>> -> memref<10000x128xf32, #tpu.memory_space<hbm>>
      tpu.enqueue_indirect_dma source(%dma_start3A_50 : memref<10000x128xf32, #tpu.memory_space<hbm>>) target(%arg12 : memref<80x128xf32, #tpu.memory_space<vmem>>) offsets(%dma_start3A_47 : memref<80xi32, #tpu.memory_space<vmem>>) semaphore(%arg15 : memref<!tpu.dma_semaphore, #tpu.memory_space<semaphore_mem>>)
      "tpu.region"() ({
        %run_scoped3A_97 = tpu.sem_alloc : memref<!tpu.dma_semaphore, #tpu.memory_space<semaphore_mem>>
        %dma_start3A_98 = arith.constant 0 : i32
        %dma_start3A_99 = tpu.memref_slice %arg10[%mul3A_36, %dma_start3A_98] : memref<125x80xi32, #tpu.memory_space<vmem>> -> memref<1x80xi32, #tpu.memory_space<vmem>>
        %dma_start3A_100 = tpu.memref_squeeze %dma_start3A_99 : memref<1x80xi32, #tpu.memory_space<vmem>> -> memref<80xi32, #tpu.memory_space<vmem>>
        %dma_start3A_101 = arith.constant 0 : i32
        %dma_start3A_102 = arith.constant 0 : i32
        %dma_start3A_103 = tpu.memref_slice %arg17[%dma_start3A_101, %dma_start3A_102] : memref<10112x128xf32, #tpu.memory_space<vmem_shared>> -> memref<10112x128xf32, #tpu.memory_space<vmem_shared>>
        tpu.enqueue_indirect_dma source(%arg11 : memref<80x128xf32, #tpu.memory_space<vmem>>) target(%dma_start3A_103 : memref<10112x128xf32, #tpu.memory_space<vmem_shared>>) offsets(%dma_start3A_100 : memref<80xi32, #tpu.memory_space<vmem>>) semaphore(%run_scoped3A_97 : memref<!tpu.dma_semaphore, #tpu.memory_space<semaphore_mem>>) {add = true}
        %dma_wait3A_104 = arith.constant 0 : i32
        %dma_wait3A_105 = tpu.memref_slice %arg10[%mul3A_36, %dma_wait3A_104] : memref<125x80xi32, #tpu.memory_space<vmem>> -> memref<1x80xi32, #tpu.memory_space<vmem>>
        %dma_wait3A_106 = tpu.memref_squeeze %dma_wait3A_105 : memref<1x80xi32, #tpu.memory_space<vmem>> -> memref<80xi32, #tpu.memory_space<vmem>>
        %dma_wait3A_107 = arith.constant 0 : i32
        %dma_wait3A_108 = arith.constant 0 : i32
        %dma_wait3A_109 = tpu.memref_slice %arg17[%dma_wait3A_107, %dma_wait3A_108] : memref<10112x128xf32, #tpu.memory_space<vmem_shared>> -> memref<10112x128xf32, #tpu.memory_space<vmem_shared>>
        tpu.wait_indirect_dma semaphore(%run_scoped3A_97 : memref<!tpu.dma_semaphore, #tpu.memory_space<semaphore_mem>>) src(%arg11 : memref<80x128xf32, #tpu.memory_space<vmem>>) dst(%dma_wait3A_109 : memref<10112x128xf32, #tpu.memory_space<vmem_shared>>)
        tpu.yield
      }) : () -> ()
      %dma_start3A_51 = arith.constant 0 : i32
      %dma_start3A_52 = tpu.memref_slice %arg10[%mul3A_36, %dma_start3A_51] : memref<125x80xi32, #tpu.memory_space<vmem>> -> memref<1x80xi32, #tpu.memory_space<vmem>>
      %dma_start3A_53 = tpu.memref_squeeze %dma_start3A_52 : memref<1x80xi32, #tpu.memory_space<vmem>> -> memref<80xi32, #tpu.memory_space<vmem>>
      %dma_start3A_54 = arith.constant 0 : i32
      %dma_start3A_55 = arith.constant 0 : i32
      %dma_start3A_56 = tpu.memref_slice %arg18[%dma_start3A_54, %dma_start3A_55] : memref<10112x8xf32, #tpu.memory_space<vmem_shared>> -> memref<10112x8xf32, #tpu.memory_space<vmem_shared>>
      tpu.enqueue_indirect_dma source(%arg13 : memref<80x8xf32, #tpu.memory_space<vmem>>) target(%dma_start3A_56 : memref<10112x8xf32, #tpu.memory_space<vmem_shared>>) offsets(%dma_start3A_53 : memref<80xi32, #tpu.memory_space<vmem>>) semaphore(%arg16 : memref<!tpu.dma_semaphore, #tpu.memory_space<semaphore_mem>>) {add = true}
      %add3A_57 = arith.constant 2 : i32
      %add3A_58 = arith.addi %mul3A_36, %add3A_57 : i32
      %dma_start3A_59 = arith.constant 0 : i32
      %dma_start3A_60 = tpu.memref_slice %arg9[%add3A_58, %dma_start3A_59] : memref<125x80xi32, #tpu.memory_space<vmem>> -> memref<1x80xi32, #tpu.memory_space<vmem>>
      %dma_start3A_61 = tpu.memref_squeeze %dma_start3A_60 : memref<1x80xi32, #tpu.memory_space<vmem>> -> memref<80xi32, #tpu.memory_space<vmem>>
      %dma_start3A_62 = arith.constant 0 : i32
      %dma_start3A_63 = arith.constant 0 : i32
      %dma_start3A_64 = tpu.memref_slice %arg2[%dma_start3A_62, %dma_start3A_63] : memref<10000x128xf32, #tpu.memory_space<hbm>> -> memref<10000x128xf32, #tpu.memory_space<hbm>>
      tpu.enqueue_indirect_dma source(%dma_start3A_64 : memref<10000x128xf32, #tpu.memory_space<hbm>>) target(%arg11 : memref<80x128xf32, #tpu.memory_space<vmem>>) offsets(%dma_start3A_61 : memref<80xi32, #tpu.memory_space<vmem>>) semaphore(%arg14 : memref<!tpu.dma_semaphore, #tpu.memory_space<semaphore_mem>>)
      %add3A_65 = arith.constant 1 : i32
      %add3A_66 = arith.addi %mul3A_36, %add3A_65 : i32
      %dma_wait3A_67 = arith.constant 0 : i32
      %dma_wait3A_68 = tpu.memref_slice %arg9[%add3A_66, %dma_wait3A_67] : memref<125x80xi32, #tpu.memory_space<vmem>> -> memref<1x80xi32, #tpu.memory_space<vmem>>
      %dma_wait3A_69 = tpu.memref_squeeze %dma_wait3A_68 : memref<1x80xi32, #tpu.memory_space<vmem>> -> memref<80xi32, #tpu.memory_space<vmem>>
      %dma_wait3A_70 = arith.constant 0 : i32
      %dma_wait3A_71 = arith.constant 0 : i32
      %dma_wait3A_72 = tpu.memref_slice %arg2[%dma_wait3A_70, %dma_wait3A_71] : memref<10000x128xf32, #tpu.memory_space<hbm>> -> memref<10000x128xf32, #tpu.memory_space<hbm>>
      tpu.wait_indirect_dma semaphore(%arg15 : memref<!tpu.dma_semaphore, #tpu.memory_space<semaphore_mem>>) src(%dma_wait3A_72 : memref<10000x128xf32, #tpu.memory_space<hbm>>) dst(%arg12 : memref<80x128xf32, #tpu.memory_space<vmem>>)
      %add3A_73 = arith.constant 1 : i32
      %add3A_74 = arith.addi %mul3A_36, %add3A_73 : i32
      "tpu.region"() ({
        %run_scoped3A_97 = tpu.sem_alloc : memref<!tpu.dma_semaphore, #tpu.memory_space<semaphore_mem>>
        %dma_start3A_98 = arith.constant 0 : i32
        %dma_start3A_99 = tpu.memref_slice %arg10[%add3A_74, %dma_start3A_98] : memref<125x80xi32, #tpu.memory_space<vmem>> -> memref<1x80xi32, #tpu.memory_space<vmem>>
        %dma_start3A_100 = tpu.memref_squeeze %dma_start3A_99 : memref<1x80xi32, #tpu.memory_space<vmem>> -> memref<80xi32, #tpu.memory_space<vmem>>
        %dma_start3A_101 = arith.constant 0 : i32
        %dma_start3A_102 = arith.constant 0 : i32
        %dma_start3A_103 = tpu.memref_slice %arg17[%dma_start3A_101, %dma_start3A_102] : memref<10112x128xf32, #tpu.memory_space<vmem_shared>> -> memref<10112x128xf32, #tpu.memory_space<vmem_shared>>
        tpu.enqueue_indirect_dma source(%arg12 : memref<80x128xf32, #tpu.memory_space<vmem>>) target(%dma_start3A_103 : memref<10112x128xf32, #tpu.memory_space<vmem_shared>>) offsets(%dma_start3A_100 : memref<80xi32, #tpu.memory_space<vmem>>) semaphore(%run_scoped3A_97 : memref<!tpu.dma_semaphore, #tpu.memory_space<semaphore_mem>>) {add = true}
        %dma_wait3A_104 = arith.constant 0 : i32
        %dma_wait3A_105 = tpu.memref_slice %arg10[%add3A_74, %dma_wait3A_104] : memref<125x80xi32, #tpu.memory_space<vmem>> -> memref<1x80xi32, #tpu.memory_space<vmem>>
        %dma_wait3A_106 = tpu.memref_squeeze %dma_wait3A_105 : memref<1x80xi32, #tpu.memory_space<vmem>> -> memref<80xi32, #tpu.memory_space<vmem>>
        %dma_wait3A_107 = arith.constant 0 : i32
        %dma_wait3A_108 = arith.constant 0 : i32
        %dma_wait3A_109 = tpu.memref_slice %arg17[%dma_wait3A_107, %dma_wait3A_108] : memref<10112x128xf32, #tpu.memory_space<vmem_shared>> -> memref<10112x128xf32, #tpu.memory_space<vmem_shared>>
        tpu.wait_indirect_dma semaphore(%run_scoped3A_97 : memref<!tpu.dma_semaphore, #tpu.memory_space<semaphore_mem>>) src(%arg12 : memref<80x128xf32, #tpu.memory_space<vmem>>) dst(%dma_wait3A_109 : memref<10112x128xf32, #tpu.memory_space<vmem_shared>>)
        tpu.yield
      }) : () -> ()
      %add3A_75 = arith.constant 1 : i32
      %add3A_76 = arith.addi %mul3A_36, %add3A_75 : i32
      %dma_start3A_77 = arith.constant 0 : i32
      %dma_start3A_78 = tpu.memref_slice %arg10[%add3A_76, %dma_start3A_77] : memref<125x80xi32, #tpu.memory_space<vmem>> -> memref<1x80xi32, #tpu.memory_space<vmem>>
      %dma_start3A_79 = tpu.memref_squeeze %dma_start3A_78 : memref<1x80xi32, #tpu.memory_space<vmem>> -> memref<80xi32, #tpu.memory_space<vmem>>
      %dma_start3A_80 = arith.constant 0 : i32
      %dma_start3A_81 = arith.constant 0 : i32
      %dma_start3A_82 = tpu.memref_slice %arg18[%dma_start3A_80, %dma_start3A_81] : memref<10112x8xf32, #tpu.memory_space<vmem_shared>> -> memref<10112x8xf32, #tpu.memory_space<vmem_shared>>
      tpu.enqueue_indirect_dma source(%arg13 : memref<80x8xf32, #tpu.memory_space<vmem>>) target(%dma_start3A_82 : memref<10112x8xf32, #tpu.memory_space<vmem_shared>>) offsets(%dma_start3A_79 : memref<80xi32, #tpu.memory_space<vmem>>) semaphore(%arg16 : memref<!tpu.dma_semaphore, #tpu.memory_space<semaphore_mem>>) {add = true}
      %dma_wait3A_83 = arith.constant 0 : i32
      %dma_wait3A_84 = tpu.memref_slice %arg10[%mul3A_36, %dma_wait3A_83] : memref<125x80xi32, #tpu.memory_space<vmem>> -> memref<1x80xi32, #tpu.memory_space<vmem>>
      %dma_wait3A_85 = tpu.memref_squeeze %dma_wait3A_84 : memref<1x80xi32, #tpu.memory_space<vmem>> -> memref<80xi32, #tpu.memory_space<vmem>>
      %dma_wait3A_86 = arith.constant 0 : i32
      %dma_wait3A_87 = arith.constant 0 : i32
      %dma_wait3A_88 = tpu.memref_slice %arg18[%dma_wait3A_86, %dma_wait3A_87] : memref<10112x8xf32, #tpu.memory_space<vmem_shared>> -> memref<10112x8xf32, #tpu.memory_space<vmem_shared>>
      tpu.wait_indirect_dma semaphore(%arg16 : memref<!tpu.dma_semaphore, #tpu.memory_space<semaphore_mem>>) src(%arg13 : memref<80x8xf32, #tpu.memory_space<vmem>>) dst(%dma_wait3A_88 : memref<10112x8xf32, #tpu.memory_space<vmem_shared>>)
      %add3A_89 = arith.constant 1 : i32
      %add3A_90 = arith.addi %mul3A_36, %add3A_89 : i32
      %dma_wait3A_91 = arith.constant 0 : i32
      %dma_wait3A_92 = tpu.memref_slice %arg10[%add3A_90, %dma_wait3A_91] : memref<125x80xi32, #tpu.memory_space<vmem>> -> memref<1x80xi32, #tpu.memory_space<vmem>>
      %dma_wait3A_93 = tpu.memref_squeeze %dma_wait3A_92 : memref<1x80xi32, #tpu.memory_space<vmem>> -> memref<80xi32, #tpu.memory_space<vmem>>
      %dma_wait3A_94 = arith.constant 0 : i32
      %dma_wait3A_95 = arith.constant 0 : i32
      %dma_wait3A_96 = tpu.memref_slice %arg18[%dma_wait3A_94, %dma_wait3A_95] : memref<10112x8xf32, #tpu.memory_space<vmem_shared>> -> memref<10112x8xf32, #tpu.memory_space<vmem_shared>>
      tpu.wait_indirect_dma semaphore(%arg16 : memref<!tpu.dma_semaphore, #tpu.memory_space<semaphore_mem>>) src(%arg13 : memref<80x8xf32, #tpu.memory_space<vmem>>) dst(%dma_wait3A_96 : memref<10112x8xf32, #tpu.memory_space<vmem_shared>>)
    }
    %scan3A_16 = arith.constant 62 : i32
    %dma_wait3A = arith.constant 124 : i32
    %dma_wait3A_17 = arith.constant 0 : i32
    %dma_wait3A_18 = tpu.memref_slice %arg9[%dma_wait3A, %dma_wait3A_17] : memref<125x80xi32, #tpu.memory_space<vmem>> -> memref<1x80xi32, #tpu.memory_space<vmem>>
    %dma_wait3A_19 = tpu.memref_squeeze %dma_wait3A_18 : memref<1x80xi32, #tpu.memory_space<vmem>> -> memref<80xi32, #tpu.memory_space<vmem>>
    %dma_wait3A_20 = arith.constant 0 : i32
    %dma_wait3A_21 = arith.constant 0 : i32
    %dma_wait3A_22 = tpu.memref_slice %arg2[%dma_wait3A_20, %dma_wait3A_21] : memref<10000x128xf32, #tpu.memory_space<hbm>> -> memref<10000x128xf32, #tpu.memory_space<hbm>>
    tpu.wait_indirect_dma semaphore(%arg14 : memref<!tpu.dma_semaphore, #tpu.memory_space<semaphore_mem>>) src(%dma_wait3A_22 : memref<10000x128xf32, #tpu.memory_space<hbm>>) dst(%arg11 : memref<80x128xf32, #tpu.memory_space<vmem>>)
    %run_scoped3A_23 = arith.constant 124 : i32
    "tpu.region"() ({
      %run_scoped3A_34 = tpu.sem_alloc : memref<!tpu.dma_semaphore, #tpu.memory_space<semaphore_mem>>
      %dma_start3A_35 = arith.constant 0 : i32
      %dma_start3A_36 = tpu.memref_slice %arg10[%run_scoped3A_23, %dma_start3A_35] : memref<125x80xi32, #tpu.memory_space<vmem>> -> memref<1x80xi32, #tpu.memory_space<vmem>>
      %dma_start3A_37 = tpu.memref_squeeze %dma_start3A_36 : memref<1x80xi32, #tpu.memory_space<vmem>> -> memref<80xi32, #tpu.memory_space<vmem>>
      %dma_start3A_38 = arith.constant 0 : i32
      %dma_start3A_39 = arith.constant 0 : i32
      %dma_start3A_40 = tpu.memref_slice %arg17[%dma_start3A_38, %dma_start3A_39] : memref<10112x128xf32, #tpu.memory_space<vmem_shared>> -> memref<10112x128xf32, #tpu.memory_space<vmem_shared>>
      tpu.enqueue_indirect_dma source(%arg11 : memref<80x128xf32, #tpu.memory_space<vmem>>) target(%dma_start3A_40 : memref<10112x128xf32, #tpu.memory_space<vmem_shared>>) offsets(%dma_start3A_37 : memref<80xi32, #tpu.memory_space<vmem>>) semaphore(%run_scoped3A_34 : memref<!tpu.dma_semaphore, #tpu.memory_space<semaphore_mem>>) {add = true}
      %dma_wait3A_41 = arith.constant 0 : i32
      %dma_wait3A_42 = tpu.memref_slice %arg10[%run_scoped3A_23, %dma_wait3A_41] : memref<125x80xi32, #tpu.memory_space<vmem>> -> memref<1x80xi32, #tpu.memory_space<vmem>>
      %dma_wait3A_43 = tpu.memref_squeeze %dma_wait3A_42 : memref<1x80xi32, #tpu.memory_space<vmem>> -> memref<80xi32, #tpu.memory_space<vmem>>
      %dma_wait3A_44 = arith.constant 0 : i32
      %dma_wait3A_45 = arith.constant 0 : i32
      %dma_wait3A_46 = tpu.memref_slice %arg17[%dma_wait3A_44, %dma_wait3A_45] : memref<10112x128xf32, #tpu.memory_space<vmem_shared>> -> memref<10112x128xf32, #tpu.memory_space<vmem_shared>>
      tpu.wait_indirect_dma semaphore(%run_scoped3A_34 : memref<!tpu.dma_semaphore, #tpu.memory_space<semaphore_mem>>) src(%arg11 : memref<80x128xf32, #tpu.memory_space<vmem>>) dst(%dma_wait3A_46 : memref<10112x128xf32, #tpu.memory_space<vmem_shared>>)
      tpu.yield
    }) : () -> ()
    %run_scoped3A_24 = arith.constant 124 : i32
    "tpu.region"() ({
      %run_scoped3A_34 = tpu.sem_alloc : memref<!tpu.dma_semaphore, #tpu.memory_space<semaphore_mem>>
      %dma_start3A_35 = arith.constant 0 : i32
      %dma_start3A_36 = tpu.memref_slice %arg10[%run_scoped3A_24, %dma_start3A_35] : memref<125x80xi32, #tpu.memory_space<vmem>> -> memref<1x80xi32, #tpu.memory_space<vmem>>
      %dma_start3A_37 = tpu.memref_squeeze %dma_start3A_36 : memref<1x80xi32, #tpu.memory_space<vmem>> -> memref<80xi32, #tpu.memory_space<vmem>>
      %dma_start3A_38 = arith.constant 0 : i32
      %dma_start3A_39 = arith.constant 0 : i32
      %dma_start3A_40 = tpu.memref_slice %arg18[%dma_start3A_38, %dma_start3A_39] : memref<10112x8xf32, #tpu.memory_space<vmem_shared>> -> memref<10112x8xf32, #tpu.memory_space<vmem_shared>>
      tpu.enqueue_indirect_dma source(%arg13 : memref<80x8xf32, #tpu.memory_space<vmem>>) target(%dma_start3A_40 : memref<10112x8xf32, #tpu.memory_space<vmem_shared>>) offsets(%dma_start3A_37 : memref<80xi32, #tpu.memory_space<vmem>>) semaphore(%run_scoped3A_34 : memref<!tpu.dma_semaphore, #tpu.memory_space<semaphore_mem>>) {add = true}
      %dma_wait3A_41 = arith.constant 0 : i32
      %dma_wait3A_42 = tpu.memref_slice %arg10[%run_scoped3A_24, %dma_wait3A_41] : memref<125x80xi32, #tpu.memory_space<vmem>> -> memref<1x80xi32, #tpu.memory_space<vmem>>
      %dma_wait3A_43 = tpu.memref_squeeze %dma_wait3A_42 : memref<1x80xi32, #tpu.memory_space<vmem>> -> memref<80xi32, #tpu.memory_space<vmem>>
      %dma_wait3A_44 = arith.constant 0 : i32
      %dma_wait3A_45 = arith.constant 0 : i32
      %dma_wait3A_46 = tpu.memref_slice %arg18[%dma_wait3A_44, %dma_wait3A_45] : memref<10112x8xf32, #tpu.memory_space<vmem_shared>> -> memref<10112x8xf32, #tpu.memory_space<vmem_shared>>
      tpu.wait_indirect_dma semaphore(%run_scoped3A_34 : memref<!tpu.dma_semaphore, #tpu.memory_space<semaphore_mem>>) src(%arg13 : memref<80x8xf32, #tpu.memory_space<vmem>>) dst(%dma_wait3A_46 : memref<10112x8xf32, #tpu.memory_space<vmem_shared>>)
      tpu.yield
    }) : () -> ()
    %barrier3A_25 = arith.constant 0 : index
    tpu.barrier barrier_id(%barrier3A_25)
    %mul3A_26 = arith.constant 632 : i32
    %mul3A_27 = arith.muli %arg1, %mul3A_26 : i32
    %mul3A_28 = arith.constant 632 : i32
    %mul3A_29 = arith.muli %arg1, %mul3A_28 : i32
    "tpu.region"() ({
      %run_scoped3A_34 = tpu.sem_alloc : memref<!tpu.dma_semaphore, #tpu.memory_space<semaphore_mem>>
      %dma_start3A_35 = arith.constant 0 : i32
      %dma_start3A_36 = tpu.memref_slice %arg7[%arg0, %mul3A_29, %dma_start3A_35] : memref<2x10112x128xf32, #tpu.memory_space<hbm>> -> memref<1x632x128xf32, #tpu.memory_space<hbm>>
      %dma_start3A_37 = tpu.memref_squeeze %dma_start3A_36 : memref<1x632x128xf32, #tpu.memory_space<hbm>> -> memref<632x128xf32, #tpu.memory_space<hbm>>
      %dma_start3A_38 = arith.constant 0 : i32
      %dma_start3A_39 = tpu.memref_slice %arg17[%mul3A_27, %dma_start3A_38] : memref<10112x128xf32, #tpu.memory_space<vmem_shared>> -> memref<632x128xf32, #tpu.memory_space<vmem_shared>>
      tpu.enqueue_dma source(%dma_start3A_39 : memref<632x128xf32, #tpu.memory_space<vmem_shared>>) target(%dma_start3A_37 : memref<632x128xf32, #tpu.memory_space<hbm>>) target_semaphore(%run_scoped3A_34 : memref<!tpu.dma_semaphore, #tpu.memory_space<semaphore_mem>>)
      %dma_wait3A_40 = arith.constant 0 : i32
      %dma_wait3A_41 = tpu.memref_slice %arg7[%arg0, %mul3A_29, %dma_wait3A_40] : memref<2x10112x128xf32, #tpu.memory_space<hbm>> -> memref<1x632x128xf32, #tpu.memory_space<hbm>>
      %dma_wait3A_42 = tpu.memref_squeeze %dma_wait3A_41 : memref<1x632x128xf32, #tpu.memory_space<hbm>> -> memref<632x128xf32, #tpu.memory_space<hbm>>
      %dma_wait3A_43 = arith.constant 0 : i32
      %dma_wait3A_44 = tpu.memref_slice %arg17[%mul3A_27, %dma_wait3A_43] : memref<10112x128xf32, #tpu.memory_space<vmem_shared>> -> memref<632x128xf32, #tpu.memory_space<vmem_shared>>
      tpu.wait_dma2 semaphore(%run_scoped3A_34 : memref<!tpu.dma_semaphore, #tpu.memory_space<semaphore_mem>>) src(%dma_wait3A_44 : memref<632x128xf32, #tpu.memory_space<vmem_shared>>) dst(%dma_wait3A_42 : memref<632x128xf32, #tpu.memory_space<hbm>>)
      tpu.yield
    }) : () -> ()
    %mul3A_30 = arith.constant 632 : i32
    %mul3A_31 = arith.muli %arg1, %mul3A_30 : i32
    %mul3A_32 = arith.constant 632 : i32
    %mul3A_33 = arith.muli %arg1, %mul3A_32 : i32
    "tpu.region"() ({
      %run_scoped3A_34 = tpu.sem_alloc : memref<!tpu.dma_semaphore, #tpu.memory_space<semaphore_mem>>
      %dma_start3A_35 = arith.constant 0 : i32
      %dma_start3A_36 = tpu.memref_slice %arg8[%arg0, %mul3A_33, %dma_start3A_35] : memref<2x10112x8xf32, #tpu.memory_space<hbm>> -> memref<1x632x8xf32, #tpu.memory_space<hbm>>
      %dma_start3A_37 = tpu.memref_squeeze %dma_start3A_36 : memref<1x632x8xf32, #tpu.memory_space<hbm>> -> memref<632x8xf32, #tpu.memory_space<hbm>>
      %dma_start3A_38 = arith.constant 0 : i32
      %dma_start3A_39 = tpu.memref_slice %arg18[%mul3A_31, %dma_start3A_38] : memref<10112x8xf32, #tpu.memory_space<vmem_shared>> -> memref<632x8xf32, #tpu.memory_space<vmem_shared>>
      tpu.enqueue_dma source(%dma_start3A_39 : memref<632x8xf32, #tpu.memory_space<vmem_shared>>) target(%dma_start3A_37 : memref<632x8xf32, #tpu.memory_space<hbm>>) target_semaphore(%run_scoped3A_34 : memref<!tpu.dma_semaphore, #tpu.memory_space<semaphore_mem>>)
      %dma_wait3A_40 = arith.constant 0 : i32
      %dma_wait3A_41 = tpu.memref_slice %arg8[%arg0, %mul3A_33, %dma_wait3A_40] : memref<2x10112x8xf32, #tpu.memory_space<hbm>> -> memref<1x632x8xf32, #tpu.memory_space<hbm>>
      %dma_wait3A_42 = tpu.memref_squeeze %dma_wait3A_41 : memref<1x632x8xf32, #tpu.memory_space<hbm>> -> memref<632x8xf32, #tpu.memory_space<hbm>>
      %dma_wait3A_43 = arith.constant 0 : i32
      %dma_wait3A_44 = tpu.memref_slice %arg18[%mul3A_31, %dma_wait3A_43] : memref<10112x8xf32, #tpu.memory_space<vmem_shared>> -> memref<632x8xf32, #tpu.memory_space<vmem_shared>>
      tpu.wait_dma2 semaphore(%run_scoped3A_34 : memref<!tpu.dma_semaphore, #tpu.memory_space<semaphore_mem>>) src(%dma_wait3A_44 : memref<632x8xf32, #tpu.memory_space<vmem_shared>>) dst(%dma_wait3A_42 : memref<632x8xf32, #tpu.memory_space<hbm>>)
      tpu.yield
    }) : () -> ()
    return
  }
}

module attributes {stable_mosaic.version = 14 : i64} {
  func.func @body(%arg0: i32, %arg1: memref<2000x128xf32, #tpu.memory_space<vmem>>, %arg2: memref<128x128xf32, #tpu.memory_space<vmem>>, %arg3: memref<1x128xf32, #tpu.memory_space<vmem>>, %arg4: memref<2000x128xf32, #tpu.memory_space<vmem>>) attributes {dimension_semantics = [#tpu.dimension_semantics<arbitrary>], iteration_bounds = array<i64: 5>, scalar_prefetch = 0 : i64, scratch_operands = 0 : i64, tpu.core_type = #tpu.core_type<tc>, window_params = [{transform_indices = @transform_0, window_bounds = array<i64: 2000, 128>}, {pipeline_mode = #tpu.pipeline_mode<synchronous>, transform_indices = @transform_1, window_bounds = array<i64: 128, 128>}, {pipeline_mode = #tpu.pipeline_mode<synchronous>, transform_indices = @transform_2, window_bounds = array<i64: 1, 128>}, {transform_indices = @transform_3, window_bounds = array<i64: 2000, 128>}]} {
    %get3A = arith.constant 0 : index
    %get3A_0 = arith.constant 0 : index
    %get3A_1 = vector.load %arg1[%get3A, %get3A_0] : memref<2000x128xf32, #tpu.memory_space<vmem>>, vector<2000x128xf32>
    %get3A_2 = arith.constant 0 : index
    %get3A_3 = arith.constant 0 : index
    %get3A_4 = vector.load %arg2[%get3A_2, %get3A_3] : memref<128x128xf32, #tpu.memory_space<vmem>>, vector<128x128xf32>
    %dot_general3A = arith.constant dense<0.000000e+00> : vector<2000x128xf32>
    %dot_general3A_5 = tpu.matmul %get3A_1, %get3A_4, %dot_general3A {dimension_numbers = #tpu.dot_dimension_numbers<[1], [0], [0], [1], [0, 0, 1, 1], [], []>, transpose_lhs_hint = false} : vector<2000x128xf32>, vector<128x128xf32>, vector<2000x128xf32> -> vector<2000x128xf32>
    %get3A_6 = arith.constant 0 : index
    %get3A_7 = arith.constant 0 : index
    %get3A_8 = vector.load %arg3[%get3A_6, %get3A_7] : memref<1x128xf32, #tpu.memory_space<vmem>>, vector<1x128xf32>
    %add3A = vector.broadcast %get3A_8 : vector<1x128xf32> to vector<2000x128xf32>
    %add3A_9 = arith.addf %dot_general3A_5, %add3A : vector<2000x128xf32>
    %swap3A = arith.constant 0 : index
    %swap3A_10 = arith.constant 0 : index
    %swap3A_11 = vector.load %arg4[%swap3A, %swap3A_10] : memref<2000x128xf32, #tpu.memory_space<vmem>>, vector<2000x128xf32>
    tpu.vector_store %arg4[%swap3A, %swap3A_10], %add3A_9 {strides = array<i32>} : memref<2000x128xf32, #tpu.memory_space<vmem>>, vector<2000x128xf32>,
    return
  }
  func.func @transform_0(%arg0: i32) -> (i32, i32) {
    %c0_i32 = arith.constant 0 : i32
    %c0_i32_0 = arith.constant 0 : i32
    return %arg0, %c0_i32 : i32, i32
  }
  func.func @transform_1(%arg0: i32) -> (i32, i32) {
    %c0_i32 = arith.constant 0 : i32
    %c0_i32_0 = arith.constant 0 : i32
    %c0_i32_1 = arith.constant 0 : i32
    return %c0_i32, %c0_i32_0 : i32, i32
  }
  func.func @transform_2(%arg0: i32) -> (i32, i32) {
    %c0_i32 = arith.constant 0 : i32
    %c0_i32_0 = arith.constant 0 : i32
    %c0_i32_1 = arith.constant 0 : i32
    return %c0_i32, %c0_i32_0 : i32, i32
  }
  func.func @transform_3(%arg0: i32) -> (i32, i32) {
    %c0_i32 = arith.constant 0 : i32
    %c0_i32_0 = arith.constant 0 : i32
    return %arg0, %c0_i32 : i32, i32
  }
}

module attributes {stable_mosaic.version = 14 : i64} {
  func.func @body(%arg0: i32, %arg1: memref<2x2000x128xf32, #tpu.memory_space<vmem>>, %arg2: memref<2x2000x8xf32, #tpu.memory_space<vmem>>, %arg3: memref<2000x128xf32, #tpu.memory_space<vmem>>, %arg4: memref<128x128xf32, #tpu.memory_space<vmem>>, %arg5: memref<2000x128xf32, #tpu.memory_space<vmem>>) attributes {dimension_semantics = [#tpu.dimension_semantics<arbitrary>], iteration_bounds = array<i64: 5>, scalar_prefetch = 0 : i64, scratch_operands = 0 : i64, tpu.core_type = #tpu.core_type<tc>, window_params = [{transform_indices = @transform_0, window_bounds = array<i64: 2, 2000, 128>}, {transform_indices = @transform_1, window_bounds = array<i64: 2, 2000, 8>}, {transform_indices = @transform_2, window_bounds = array<i64: 2000, 128>}, {pipeline_mode = #tpu.pipeline_mode<synchronous>, transform_indices = @transform_3, window_bounds = array<i64: 128, 128>}, {transform_indices = @transform_4, window_bounds = array<i64: 2000, 128>}]} {
    %get3A = arith.constant 0 : index
    %get3A_0 = arith.constant 0 : index
    %get3A_1 = arith.constant 0 : index
    %get3A_2 = vector.load %arg1[%get3A, %get3A_0, %get3A_1] : memref<2x2000x128xf32, #tpu.memory_space<vmem>>, vector<1x2000x128xf32>
    %get3A_3 = vector.shape_cast %get3A_2 : vector<1x2000x128xf32> to vector<2000x128xf32>
    %get3A_4 = arith.constant 1 : index
    %get3A_5 = arith.constant 0 : index
    %get3A_6 = arith.constant 0 : index
    %get3A_7 = vector.load %arg1[%get3A_4, %get3A_5, %get3A_6] : memref<2x2000x128xf32, #tpu.memory_space<vmem>>, vector<1x2000x128xf32>
    %get3A_8 = vector.shape_cast %get3A_7 : vector<1x2000x128xf32> to vector<2000x128xf32>
    %add3A = arith.addf %get3A_3, %get3A_8 : vector<2000x128xf32>
    %get3A_9 = arith.constant 0 : index
    %get3A_10 = arith.constant 0 : index
    %get3A_11 = arith.constant 0 : index
    %get3A_12 = vector.load %arg2[%get3A_9, %get3A_10, %get3A_11] : memref<2x2000x8xf32, #tpu.memory_space<vmem>>, vector<1x2000x8xf32>
    %get3A_13 = vector.shape_cast %get3A_12 : vector<1x2000x8xf32> to vector<2000x8xf32>
    %slice3A = vector.extract_strided_slice %get3A_13 {offsets = [0, 0], sizes = [2000, 1], strides = [1, 1]} : vector<2000x8xf32> to vector<2000x1xf32>
    %get3A_14 = arith.constant 1 : index
    %get3A_15 = arith.constant 0 : index
    %get3A_16 = arith.constant 0 : index
    %get3A_17 = vector.load %arg2[%get3A_14, %get3A_15, %get3A_16] : memref<2x2000x8xf32, #tpu.memory_space<vmem>>, vector<1x2000x8xf32>
    %get3A_18 = vector.shape_cast %get3A_17 : vector<1x2000x8xf32> to vector<2000x8xf32>
    %slice3A_19 = vector.extract_strided_slice %get3A_18 {offsets = [0, 0], sizes = [2000, 1], strides = [1, 1]} : vector<2000x8xf32> to vector<2000x1xf32>
    %add3A_20 = arith.addf %slice3A, %slice3A_19 : vector<2000x1xf32>
    %max3A = arith.constant 1.000000e+00 : f32
    %max3A_21 = vector.broadcast %max3A : f32 to vector<2000x1xf32>
    %max3A_22 = arith.maximumf %add3A_20, %max3A_21 : vector<2000x1xf32>
    %div3A = vector.broadcast %max3A_22 : vector<2000x1xf32> to vector<2000x128xf32>
    %div3A_23 = arith.divf %add3A, %div3A : vector<2000x128xf32>
    %get3A_24 = arith.constant 0 : index
    %get3A_25 = arith.constant 0 : index
    %get3A_26 = vector.load %arg4[%get3A_24, %get3A_25] : memref<128x128xf32, #tpu.memory_space<vmem>>, vector<128x128xf32>
    %dot_general3A = arith.constant dense<0.000000e+00> : vector<2000x128xf32>
    %dot_general3A_27 = tpu.matmul %div3A_23, %get3A_26, %dot_general3A {dimension_numbers = #tpu.dot_dimension_numbers<[1], [0], [0], [1], [0, 0, 1, 1], [], []>, transpose_lhs_hint = false} : vector<2000x128xf32>, vector<128x128xf32>, vector<2000x128xf32> -> vector<2000x128xf32>
    %get3A_28 = arith.constant 0 : index
    %get3A_29 = arith.constant 0 : index
    %get3A_30 = vector.load %arg3[%get3A_28, %get3A_29] : memref<2000x128xf32, #tpu.memory_space<vmem>>, vector<2000x128xf32>
    %add3A_31 = arith.addf %dot_general3A_27, %get3A_30 : vector<2000x128xf32>
    %swap3A = arith.constant 0 : index
    %swap3A_32 = arith.constant 0 : index
    %swap3A_33 = vector.load %arg5[%swap3A, %swap3A_32] : memref<2000x128xf32, #tpu.memory_space<vmem>>, vector<2000x128xf32>
    tpu.vector_store %arg5[%swap3A, %swap3A_32], %add3A_31 {strides = array<i32>} : memref<2000x128xf32, #tpu.memory_space<vmem>>, vector<2000x128xf32>,
    return
  }
  func.func @transform_0(%arg0: i32) -> (i32, i32, i32) {
    %c0_i32 = arith.constant 0 : i32
    %c0_i32_0 = arith.constant 0 : i32
    %c0_i32_1 = arith.constant 0 : i32
    return %c0_i32, %arg0, %c0_i32_0 : i32, i32, i32
  }
  func.func @transform_1(%arg0: i32) -> (i32, i32, i32) {
    %c0_i32 = arith.constant 0 : i32
    %c0_i32_0 = arith.constant 0 : i32
    %c0_i32_1 = arith.constant 0 : i32
    return %c0_i32, %arg0, %c0_i32_0 : i32, i32, i32
  }
  func.func @transform_2(%arg0: i32) -> (i32, i32) {
    %c0_i32 = arith.constant 0 : i32
    %c0_i32_0 = arith.constant 0 : i32
    return %arg0, %c0_i32 : i32, i32
  }
  func.func @transform_3(%arg0: i32) -> (i32, i32) {
    %c0_i32 = arith.constant 0 : i32
    %c0_i32_0 = arith.constant 0 : i32
    %c0_i32_1 = arith.constant 0 : i32
    return %c0_i32, %c0_i32_0 : i32, i32
  }
  func.func @transform_4(%arg0: i32) -> (i32, i32) {
    %c0_i32 = arith.constant 0 : i32
    %c0_i32_0 = arith.constant 0 : i32
    return %arg0, %c0_i32 : i32, i32
  }
}

</mosaic_0001>

<sc_bundles>
// kernel: kernel.5.cloned.1.call-start
scs
__scs_entry_jumppad:
0x0: {  	(pc) =	sbr.rel $0x88, $3  }
0x1: {  	(tag) =	ssettag $0x0;
	lr =	simm.s32 $0x1  }
0x2: {  	[smem:$0x3F9C] =	sst lr;
	_ =	strace $0xD0000000  }
0x3: {  	_ = 	snop  }
0x4: {  	_ = 	snop  }
0x5: {  	_ = 	snop  }
0x6: {  	_ = 	snop  }
0x7: {  	_ = 	snop  }
__scs_overlays_trampoline_lowered:
0x8: {  	[smem:$0x3FAB] =	sst s0  }
0x9: {  	[smem:$0x3FAC] =	sst s1  }
0xa: {  	[smem:$0x3FAD] =	sst s2  }
0xb: {  	[smem:$0x3FAE] =	sst s3  }
0xc: {  	[smem:$0x3FAF] =	sst s4  }
0xd: {  	[smem:$0x3FB0] =	sst s5  }
0xe: {  	[smem:$0x3FB1] =	sst s6  }
0xf: {  	[smem:$0x3FB2] =	sst s7  }
0x10: {  	[smem:$0x3FB3] =	sst s8  }
0x11: {  	[smem:$0x3FB4] =	sst s9;
	s0 =	simm.s32 @!p0 $0x0  }
0x12: {  	s1 =	sld [smem:$0x3F9A];
	s0 =	simm.s32 @p0 $0x1  }
0x13: {  	[smem:$0x3FB5] =	sst s0;
	s0 =	simm.s32 @!p1 $0x0  }
0x14: {  	s2 =	sld [smem:$0x3F99];
	s0 =	simm.s32 @p1 $0x1  }
0x15: {  	[smem:$0x3FB6] =	sst s0;
	s0 =	simm.s32 @!p2 $0x0  }
0x16: {  	s3 =	sld [smem:$0x3FDB];
	s0 =	simm.s32 @p2 $0x1  }
0x17: {  	s4 =	simm.s32 $0x1BF5;
	[smem:$0x3FB8] =	sst s0  }
0x18: {  	s0 =	sld [smem:$0x3F9B];
	_ =	swait.ge [sflag:s4], $0x0  }
0x19: {  	s7 =	sld [smem:$0x3F9C]  }
0x1a: {  	s8 =	sadd.s32 $0xFFFFE003, lr  }
0x1b: {  	s9 =	sadd.s32 $0xFFFFFEF7, lr;
	s5 =	simm.s32 $0xFFFFFFFF;
	p2 =	slt.u32 s8, $0xFFFFF086  }
0x1c: {  	p1 =	slt.u32 s9, $0xF7A;
	s5 =	simm.s32 @!p2 $0x0  }
0x1d: {  	s5 =	simm.s32 @p1 $0x1;
	p0 =	seq.s32 s7, s2  }
0x1e: {  	s7 =	smul.u32 @!p0 $0xF7A, s2;
	p2 =	seq.s32 @!p0 s5, $0x0  }
0x1f: {  	s9 =	smul.u32 $0xF7A, s1;
	s8 =	simm.s32 @!p0 $0x1BF5;
	p2 =	por !p2, p0  }
0x20: {  	[sflag:s8] =	ssyncset.s32 @!p0 $0xFFFFF086;
	s6 =	sadd.s32 @!p0 s3, s7;
	s7 =	simm.s32 @!p0 $0x108  }
0x21: {  	s3 =	sadd.s32 s3, s9;
	s6 =	sadd.s32 @!p0 $0x88, s6;
	s7 =	simm.s32 @p2 $0x1082  }
0x22: {  	[simem:s7], [sflag:s8] =	dma.local @!p0 [hbm:s6], $0xF7A  }
0x23: {  	s9 =	sor.u32 $0xD0000000, s2;
	s6 =	simm.s32 $0x108;
	_ =	swait.ge @!p0 [sflag:s8], $0x0  }
0x24: {  	s3 =	sadd.s32 $0x88, s3;
	s6 =	simm.s32 @!p1 $0x1082;
	[sflag:s4] =	ssyncset.s32 $0xFFFFF086  }
0x25: {  	[simem:s6], [sflag:s4] =	dma.local [hbm:s3], $0xF7A  }
0x26: {  	[smem:$0x3F9C] =	sst s1;
	(tag) =	ssettag s2;
	_ =	strace s9  }
0x27: {  	s1 =	sld [smem:$0x3FAC]  }
0x28: {  	s2 =	sld [smem:$0x3FAD]  }
0x29: {  	s4 =	sld [smem:$0x3FAF]  }
0x2a: {  	p0 =	seq.s32 s5, $0x0;
	s5 =	sld [smem:$0x3FB0]  }
0x2b: {  	s6 =	sld [smem:$0x3FB1]  }
0x2c: {  	s7 =	sld [smem:$0x3FB2]  }
0x2d: {  	s3 =	simm.s32 $0x108;
	s8 =	sld [smem:$0x3FB3]  }
0x2e: {  	s3 =	simm.s32 @!p0 $0x1082;
	s9 =	sld [smem:$0x3FB4]  }
0x2f: {  	lr =	sadd.s32 s0, s3;
	s0 =	sld [smem:$0x3FAB]  }
0x30: {  	s3 =	sld [smem:$0x3FAE]  }
0x31: {  	[smem:$0x3FB7] =	sst s10  }
0x32: {  	s10 =	sld [smem:$0x3FB5];
	_ =	sdelay $0x3  }
0x33: {  	p0 =	seq.s32 s10, $0x1;
	s10 =	sld [smem:$0x3FB7];
	_ =	sdelay $0x3  }
0x34: {  	[smem:$0x3FB7] =	sst s10  }
0x35: {  	s10 =	sld [smem:$0x3FB6];
	_ =	sdelay $0x3  }
0x36: {  	p1 =	seq.s32 s10, $0x1;
	s10 =	sld [smem:$0x3FB7];
	_ =	sdelay $0x3  }
0x37: {  	[smem:$0x3FB7] =	sst s10  }
0x38: {  	s10 =	sld [smem:$0x3FB8]  }
0x39: {  	_ = 	snop;
	(pc) =	sbr.ind lr, $3  }
0x3a: {  	_ = 	snop  }
0x3b: {  	_ = 	snop  }
0x3c: {  	p2 =	seq.s32 s10, $0x1;
	s10 =	sld [smem:$0x3FB7]  }
0x3d: {  	_ =	shalt  }
0x3e: {  	_ =	shalt  }
0x3f: {  	_ =	shalt  }
0x40: {  	_ =	shalt  }
0x41: {  	_ =	shalt  }
0x42: {  	_ =	shalt  }
0x43: {  	_ =	shalt  }
0x44: {  	_ =	shalt  }
0x45: {  	_ =	shalt  }
0x46: {  	_ =	shalt  }
0x47: {  	_ =	shalt  }
0x48: {  	_ =	shalt  }
0x49: {  	_ =	shalt  }
0x4a: {  	_ =	shalt  }
0x4b: {  	_ =	shalt  }
0x4c: {  	_ =	shalt  }
0x4d: {  	_ =	shalt  }
0x4e: {  	_ =	shalt  }
0x4f: {  	_ =	shalt  }
0x50: {  	_ =	shalt  }
0x51: {  	_ =	shalt  }
0x52: {  	_ =	shalt  }
0x53: {  	_ =	shalt  }
0x54: {  	_ =	shalt  }
0x55: {  	_ =	shalt  }
0x56: {  	_ =	shalt  }
0x57: {  	_ =	shalt  }
0x58: {  	_ =	shalt  }
0x59: {  	_ =	shalt  }
0x5a: {  	_ =	shalt  }
0x5b: {  	_ =	shalt  }
0x5c: {  	_ =	shalt  }
0x5d: {  	_ =	shalt  }
0x5e: {  	_ =	shalt  }
0x5f: {  	_ =	shalt  }
0x60: {  	_ =	shalt  }
0x61: {  	_ =	shalt  }
0x62: {  	_ =	shalt  }
0x63: {  	_ =	shalt  }
0x64: {  	_ =	shalt  }
0x65: {  	_ =	shalt  }
0x66: {  	_ =	shalt  }
0x67: {  	_ =	shalt  }
0x68: {  	_ =	shalt  }
0x69: {  	_ =	shalt  }
0x6a: {  	_ =	shalt  }
0x6b: {  	_ =	shalt  }
0x6c: {  	_ =	shalt  }
0x6d: {  	_ =	shalt  }
0x6e: {  	_ =	shalt  }
0x6f: {  	_ =	shalt  }
0x70: {  	_ =	shalt  }
0x71: {  	_ =	shalt  }
0x72: {  	_ =	shalt  }
0x73: {  	_ =	shalt  }
0x74: {  	_ =	shalt  }
0x75: {  	_ =	shalt  }
0x76: {  	_ =	shalt  }
0x77: {  	_ =	shalt  }
0x78: {  	_ =	shalt  }
0x79: {  	_ =	shalt  }
0x7a: {  	_ =	shalt  }
0x7b: {  	_ =	shalt  }
0x7c: {  	_ =	shalt  }
0x7d: {  	_ =	shalt  }
0x7e: {  	_ =	shalt  }
0x7f: {  	_ =	shalt  }
0x80: {  	_ =	shalt  }
0x81: {  	_ =	shalt  }
0x82: {  	_ =	shalt  }
0x83: {  	_ =	shalt  }
0x84: {  	_ =	shalt  }
0x85: {  	_ =	shalt  }
0x86: {  	_ =	shalt  }
0x87: {  	_ =	shalt  }
.Lfunc_end0:
.L_simem_size_0:
called_computation_lowered:
.L_overlay_start_0:
0x88: {  	s2 =	sld [smem:$0x3FD9]  }
0x89: {  	s3 =	sld [smem:$0x3FFE];
	_ =	sdelay $0x1  }
0x8a: {  	s1 =	srdreg.scid  }
0x8b: {  	s0 =	sand.u32 $0x1, s1  }
0x8c: {  	s17 =	sshll.u32 s0, $0xA;
	s2 =	sadd.s32 s3, s2  }
0x8d: {  	s2 =	sadd.s32 s2, s17  }
0x8e: {  	[smem:$0x3FC3] =	sst s2  }
0x8f: {  	_ = 	snop  }
0x90: {  	s2 =	sld [smem:$0x3FC9]  }
0x91: {  	s18 =	sld [smem:$0x3FD0];
	(tm) =	ssettm $0x1  }
0x92: {  	s4 =	sld [smem:$0x3FFB];
	_ =	sdelay $0x3  }
0x93: {  	_ =	strace s4  }
0x94: {  	s4 =	sld [smem:$0x3FFC];
	_ =	sdelay $0x3  }
0x95: {  	_ =	strace s4  }
0x96: {  	s4 =	sld [smem:$0x3FFD];
	_ =	sdelay $0x3  }
0x97: {  	_ =	strace s4  }
0x98: {  	_ =	strace $0x8FFFFFFF  }
0x99: {  	s19 =	sld [smem:$0x3FDB];
	_ =	sdelay $0x1  }
0x9a: {  	s5 =	simm.s32 $_scs_section_size  }
0x9b: {  	s6 =	simm.s32 $_size__tile_overlayer_lowered;
	s7 =	simm.s32 $_tile_overlayer_lowered  }
0x9c: {  	s22 =	simm.s32 $0x1BFF;
	s21 =	sshll.u32 s7, $0x1;
	s4 =	sadd.s32 s5, s19  }
0x9d: {  	s8 =	simm.s32 $0x0;
	s20 =	sshll.u32 s6, $0x1;
	s6 =	sadd.s32 s21, s4  }
0x9e: {  	[timem:s8], [sflag:s22] =	dma.local [hbm:s6], s20  }
0x9f: {  	_ =	swait.ge [sflag:s22], s20  }
0xa0: {  	s5 =	ssub.s32 $0x0, s20;
	[sflag:s22] =	ssyncset.done $0x0  }
0xa1: {  	[sflag:s22] =	ssyncadd.s32 s5;
	_ =	sdelay $0x1  }
0xa2: {  	s23 =	simm.s32 $0x1B8B  }
0xa3: {  	_ =	swait.ge [sflag:s23], $0x1  }
0xa4: {  	[sflag:s23] =	ssyncset.done $0x0  }
0xa5: {  	s25 =	simm.s32 $0x1B8E;
	s24 =	sld [smem:$0x3FFE];
	[sflag:s23] =	ssyncadd.s32 $0xFFFFFFFF  }
0xa6: {  	s26 =	simm.s32 $execute0_lowered;
	[smem:$0x3FD2] =	sst s25  }
0xa7: {  	s6 =	sshll.u32 s26, $0x1;
	_ =	strace $0x80000046;
	[dreg:$0x1] =	wrdreg $0xFFFFFFFF  }
0xa8: {  	s28 =	simm.s32 $_size_execute0_lowered;
	s4 =	sadd.s32 s4, s6;
	[dreg:$0x0] =	wrdreg $0x0  }
0xa9: {  	s6 =	sshll.u32 s28, $0x1;
	[dreg:$0x2] =	wrdreg s4  }
0xaa: {  	[dreg:$0x3] =	wrdreg s6  }
0xab: {  	[dreg:$0x4] =	wrdreg $0xC0  }
0xac: {  	_ =	task [dreg:s8], $0x5FFFF  }
0xad: {  	[dreg:$0x1] =	wrdreg $0xFFFFFFFF  }
0xae: {  	[dreg:$0x0] =	wrdreg $0x60  }
0xaf: {  	[dreg:$0x2] =	wrdreg s2  }
0xb0: {  	[dreg:$0x3] =	wrdreg s18  }
0xb1: {  	[dreg:$0x4] =	wrdreg s24  }
0xb2: {  	[dreg:$0x5] =	wrdreg $0xA0A00  }
0xb3: {  	[dreg:$0x6] =	wrdreg $0x1DCA00  }
0xb4: {  	[dreg:$0x7] =	wrdreg $0x9  }
0xb5: {  	_ =	task.clear_ibuf [dreg:s8], $0x8FFFF;
	_ =	strace $0x90000046  }
0xb6: {  	s29 =	simm.s32 $0x9;
	_ =	strace $0x80000048  }
0xb7: {  	_ =	swait.ge [sflag:s29], $0x1  }
0xb8: {  	[sflag:s29] =	ssyncadd.s32 $0xFFFFFFFF  }
0xb9: {  	_ =	strace $0x90000048  }
0xba: {  	_ =	sfence  }
0xbb: {  	s30 =	sld [smem:$0x0];
	_ =	sdelay $0x2  }
0xbc: {  	s31 =	sshll.u32 s1, $0xD;
	s1 =	sshrl.u32 s1, $0x2  }
0xbd: {  	s3 =	sand.u32 $0x4000, s31;
	s1 =	sadd.s32 s1, s30  }
0xbe: {  	s0 =	sor.u32 s3, s0;
	s1 =	sshll.u32 s1, $0x11  }
0xbf: {  	s0 =	sor.u32 s1, s0  }
0xc0: {  	s0 =	sadd.s32 $0x8F2B, s0  }
0xc1: {  	[sflag:s0] =	ssyncadd.remote.s32 $0x1  }
0xc2: {  	_ =	sfence.sel $0xFFFF  }
0xc3: {  	[dreg:$0x0] =	wrdreg $0xFFFFFFFF;
	(pc) =	sbr.abs _section_cstart, $3  }
0xc4: {  	[dreg:$0x1] =	wrdreg $0xFFFFFFFF  }
0xc5: {  	_ =	task.clear_ibuf [dreg:s8], $0x2FFFF;
	_ =	strace $0x9FFFFFFF  }
0xc6: {  	(tm) =	ssettm $0x7FFFFFFF  }
0xc7: {  	_ =	shalt  }
tec
execute0_lowered:
.L_overlay_start_1:
0x0: {  	(tag) =	ssettag $0x1  }
0x1: {  	s1 =	rddreg [dreg:$0x0]  }
0x2: {  	s10 =	rddreg [dreg:$0x1]  }
0x3: {  	s9 =	rddreg [dreg:$0x2]  }
0x4: {  	s3 =	rddreg [dreg:$0x3]  }
0x5: {  	s4 =	rddreg [dreg:$0x4]  }
0x6: {  	s0 =	rddreg [dreg:$0x5]  }
0x7: {  	s6 =	srdreg.scid;
	s2 =	stileid.u32;
	s5 =	simm.s32 $0x0  }
0x8: {  	s19 =	simm.s32 $0x2710;
	s20 =	simm.s32 $0x50;
	s21 =	simm.s32 $0x4E20  }
0x9: {  	s22 =	simm.s32 $0x1;
	s23 =	simm.s32 $0x7620;
	s24 =	simm.s32 $0x2  }
0xa: {  	s25 =	simm.s32 $0x3;
	s28 =	simm.s32 $0x0;
	s12 =	smul.u32 $0x13C00, s2  }
0xb: {  	s11 =	sand.u32 $0x1, s6;
	[smem:$0x7FF] =	sst s5;
	s14 =	smul.u32 $0x13C0, s2  }
0xc: {  	s6 =	sadd.s32 $0x1E00, s9;
	s7 =	sadd.s32 $0x1A00, s9;
	s8 =	sadd.s32 $0x1800, s9  }
0xd: {  	s16 =	sshll.u32 s2, $0x1;
	s29 =	sshll.u32 s2, $0x6;
	s13 =	smul.u32 $0x13C000, s11  }
0xe: {  	s15 =	smul.u32 $0x13C00, s11;
	s16 =	sor.u32 s11, s16;
	s11 =	ssub.s32 $0x2, s11  }
0xf: {  	_ =	strace $0x80000047;
	s16 =	smul.u32 $0x2710, s16;
	s26 =	sshrl.u32 s11, $0x1  }
0x10: {  	s31 =	sadd.s32 s12, s3;
	s18 =	sadd.s32 s14, s4;
	s13 =	sadd.s32 s12, s13  }
0x11: {  	s15 =	sadd.s32 s14, s15;
	s17 =	ssub.s32 s11, s26;
	s26 =	simm.s32 $0x4DD0  }
0x12: {  	s13 =	sshrl.u32 s13, $0x3;
	s15 =	sshrl.u32 s15, $0x3;
	s30 =	sshrl.u32 s16, $0x3  }
0x13: {  	s14 =	smax.u32 s17, $0x1;
	s16 =	simm.s32 $0x4;
	s17 =	sshrl.u32 s18, $0x3  }
0x14: {  	s18 =	simm.s32 $0x9E20;
	s13 =	sadd.s32 s13, s9;
	s10 =	sadd.s32 s10, s30  }
0x15: {  	s15 =	sadd.s32 s15, s9;
	s9 =	sor.u32 $0x1C04, s29;
	s11 =	sadd.s32 $0x9C40, s10  }
0x16: {  	s12 =	sadd.s32 $0x9600, s13;
	s13 =	sadd.s32 $0x4600, s15;
	s15 =	sshrl.u32 s31, $0x3  }
.LBB2_1:
0x17: {  	[spmem:s15], [sflag:s9] =	dma.local [hbm:s6], $0x2780  }
0x18: {  	_ =	swait.ge [sflag:s16], $0x2780  }
0x19: {  	[sflag:s16] =	ssyncset.done $0x0  }
0x1a: {  	[sflag:s16] =	ssyncadd.s32 $0xFFFFD880  }
0x1b: {  	[spmem:s17], [sflag:s9] =	dma.local [hbm:s7], $0x278  }
0x1c: {  	_ =	swait.ge [sflag:s16], $0x278  }
0x1d: {  	[sflag:s16] =	ssyncset.done $0x0  }
0x1e: {  	[sflag:s16] =	ssyncadd.s32 $0xFFFFFD88  }
0x1f: {  	[tilespmem:s18], [sflag:$0x4] =	stream.linear.gather [hbm4b:s8+s5], $0x280, $0x38;
	[tilespmem:$0x1F060] =	vst v63  }
0x20: {  	_ =	swait.ge [sflag:s16], $0x280  }
0x21: {  	[sflag:s16] =	ssyncset.done $0x0  }
0x22: {  	[sflag:s16] =	ssyncadd.s32 $0xFFFFFD80  }
0x23: {  	[tilespmem:s5], [sflag:$0x4] =	stream.linear.gather [hbm4b:s10+s5], $0x2710, $0x38;
	[tilespmem:$0x1F060] =	vst v63  }
0x24: {  	_ =	swait.ge [sflag:s16], $0x2710  }
0x25: {  	[sflag:s16] =	ssyncset.done $0x0  }
0x26: {  	[sflag:s16] =	ssyncadd.s32 $0xFFFFD8F0  }
0x27: {  	[tilespmem:s19], [sflag:$0x4] =	stream.linear.gather [hbm4b:s11+s5], $0x2710, $0x38;
	[tilespmem:$0x1F060] =	vst v63  }
0x28: {  	_ =	swait.ge [sflag:s16], $0x2710  }
0x29: {  	[sflag:s16] =	ssyncset.done $0x0  }
0x2a: {  	[sflag:s16] =	ssyncadd.s32 $0xFFFFD8F0  }
0x2b: {  	[bflag:$0x0] =	sbarrier.arrive $0xFFFF  }
0x2c: {  	[tilespmem:s21], [sflag:$0x1] =	stream.indirect.gather [hbm4b:s1+s20], $0x80, s5, s20, $0xb8;
	[tilespmem:$0x1F060] =	vst v63  }
0x2d: {  	_ =	swait.ge [sflag:s22], $0x2800  }
0x2e: {  	[sflag:s22] =	ssyncset.done $0x0  }
0x2f: {  	s29 =	simm.s32 $0x50;
	[sflag:s22] =	ssyncadd.s32 $0xFFFFD800  }
0x30: {  	[tilespmem:s23], [sflag:$0x2] =	stream.indirect.gather [hbm4b:s1+s20], $0x80, s29, s20, $0xb8;
	[tilespmem:$0x1F060] =	vst v63  }
0x31: {  	s29 =	simm.s32 $0x2710  }
0x32: {  	[spmem:s3] =	stream.indirect.scatter.add.f32 [tilespmem:s21], [sflag:$0x4], $0x80, s29, s20, $0xb8;
	[tilespmem:$0x1F060] =	vst v63  }
0x33: {  	_ =	swait.ge [sflag:s16], $0x2800  }
0x34: {  	[sflag:s16] =	ssyncset.done $0x0  }
0x35: {  	[sflag:s16] =	ssyncadd.s32 $0xFFFFD800  }
0x36: {  	[spmem:s4] =	stream.indirect.scatter.add.f32 [tilespmem:s18], [sflag:$0x3], $0x8, s29, s20, $0xb8;
	[tilespmem:$0x1F060] =	vst v63  }
0x37: {  	s29 =	simm.s32 $0xA0  }
0x38: {  	[tilespmem:s21], [sflag:$0x1] =	stream.indirect.gather [hbm4b:s1+s20], $0x80, s29, s20, $0xb8;
	[tilespmem:$0x1F060] =	vst v63  }
0x39: {  	_ =	swait.ge [sflag:s24], $0x2800  }
0x3a: {  	[sflag:s24] =	ssyncset.done $0x0  }
0x3b: {  	s29 =	simm.s32 $0x2760;
	[sflag:s24] =	ssyncadd.s32 $0xFFFFD800  }
0x3c: {  	[spmem:s3] =	stream.indirect.scatter.add.f32 [tilespmem:s23], [sflag:$0x4], $0x80, s29, s20, $0xb8;
	[tilespmem:$0x1F060] =	vst v63  }
0x3d: {  	_ =	swait.ge [sflag:s16], $0x2800  }
0x3e: {  	[sflag:s16] =	ssyncset.done $0x0  }
0x3f: {  	[sflag:s16] =	ssyncadd.s32 $0xFFFFD800  }
0x40: {  	[spmem:s4] =	stream.indirect.scatter.add.f32 [tilespmem:s18], [sflag:$0x3], $0x8, s29, s20, $0xb8;
	[tilespmem:$0x1F060] =	vst v63  }
0x41: {  	_ =	swait.ge [sflag:s25], $0x280  }
0x42: {  	[sflag:s25] =	ssyncset.done $0x0  }
0x43: {  	[sflag:s25] =	ssyncadd.s32 $0xFFFFFD80  }
0x44: {  	_ =	swait.ge [sflag:s25], $0x280  }
0x45: {  	s29 =	simm.s32 $0x280;
	[sflag:s25] =	ssyncset.done $0x0  }
.LBB2_2:
0x46: {  	p0 =	sne.s32 s29, $0x9880  }
0x47: {  	[sflag:s25] =	ssyncadd.s32 $0xFFFFFD80;
	s30 =	smov.u32 s29;
	s29 =	sadd.s32 $0x280, s29  }
0x48: {  	_ =	swait.ge [sflag:s22], $0x2800  }
0x49: {  	s30 =	sshra.s32 s30, $0x2;
	[sflag:s22] =	ssyncset.done $0x0  }
0x4a: {  	s31 =	sadd.s32 $0x50, s30;
	[sflag:s22] =	ssyncadd.s32 $0xFFFFD800  }
0x4b: {  	[tilespmem:s23], [sflag:$0x2] =	stream.indirect.gather [hbm4b:s1+s20], $0x80, s31, s20, $0xb8;
	[tilespmem:$0x1F060] =	vst v63  }
0x4c: {  	s31 =	sadd.s32 $0x2710, s30  }
0x4d: {  	[spmem:s3] =	stream.indirect.scatter.add.f32 [tilespmem:s21], [sflag:$0x4], $0x80, s31, s20, $0xb8;
	[tilespmem:$0x1F060] =	vst v63  }
0x4e: {  	_ =	swait.ge [sflag:s16], $0x2800  }
0x4f: {  	[sflag:s16] =	ssyncset.done $0x0  }
0x50: {  	[sflag:s16] =	ssyncadd.s32 $0xFFFFD800  }
0x51: {  	[spmem:s4] =	stream.indirect.scatter.add.f32 [tilespmem:s18], [sflag:$0x3], $0x8, s31, s20, $0xb8;
	[tilespmem:$0x1F060] =	vst v63  }
0x52: {  	s31 =	sadd.s32 $0xA0, s30  }
0x53: {  	[tilespmem:s21], [sflag:$0x1] =	stream.indirect.gather [hbm4b:s1+s20], $0x80, s31, s20, $0xb8;
	[tilespmem:$0x1F060] =	vst v63  }
0x54: {  	_ =	swait.ge [sflag:s24], $0x2800  }
0x55: {  	[sflag:s24] =	ssyncset.done $0x0  }
0x56: {  	s30 =	sadd.s32 $0x2760, s30;
	[sflag:s24] =	ssyncadd.s32 $0xFFFFD800  }
0x57: {  	[spmem:s3] =	stream.indirect.scatter.add.f32 [tilespmem:s23], [sflag:$0x4], $0x80, s30, s20, $0xb8;
	[tilespmem:$0x1F060] =	vst v63  }
0x58: {  	_ =	swait.ge [sflag:s16], $0x2800  }
0x59: {  	[sflag:s16] =	ssyncset.done $0x0  }
0x5a: {  	[sflag:s16] =	ssyncadd.s32 $0xFFFFD800  }
0x5b: {  	[spmem:s4] =	stream.indirect.scatter.add.f32 [tilespmem:s18], [sflag:$0x3], $0x8, s30, s20, $0xb8;
	[tilespmem:$0x1F060] =	vst v63  }
.Ltmp0:
0x5c: {  	_ =	swait.ge [sflag:s25], $0x280;
	(pc) =	sbr.rel @p0 .LBB2_2-.Ltmp0, $4  }
0x5d: {  	[sflag:s25] =	ssyncset.done $0x0  }
0x5e: {  	[sflag:s25] =	ssyncadd.s32 $0xFFFFFD80  }
0x5f: {  	_ =	swait.ge [sflag:s25], $0x280  }
0x60: {  	[sflag:s25] =	ssyncset.done $0x0  }
0x61: {  	[sflag:s25] =	ssyncadd.s32 $0xFFFFFD80  }
0x62: {  	_ =	swait.ge [sflag:s22], $0x2800  }
0x63: {  	[sflag:s22] =	ssyncset.done $0x0  }
0x64: {  	[sflag:s22] =	ssyncadd.s32 $0xFFFFD800  }
0x65: {  	[spmem:s3] =	stream.indirect.scatter.add.f32 [tilespmem:s21], [sflag:$0x4], $0x80, s26, s20, $0xb8;
	[tilespmem:$0x1F060] =	vst v63  }
0x66: {  	_ =	swait.ge [sflag:s16], $0x2800  }
0x67: {  	[sflag:s16] =	ssyncset.done $0x0  }
0x68: {  	[sflag:s16] =	ssyncadd.s32 $0xFFFFD800  }
0x69: {  	[spmem:s4] =	stream.indirect.scatter.add.f32 [tilespmem:s18], [sflag:$0x4], $0x8, s26, s20, $0xb8;
	[tilespmem:$0x1F060] =	vst v63  }
0x6a: {  	_ =	swait.ge [sflag:s16], $0x280  }
0x6b: {  	[sflag:s16] =	ssyncset.done $0x0  }
0x6c: {  	[sflag:s16] =	ssyncadd.s32 $0xFFFFFD80  }
0x6d: {  	[bflag:$0x0] =	sbarrier.arrive $0xFFFF  }
0x6e: {  	[hbm:s12], [sflag:s9] =	dma.local [spmem:s15], $0x2780  }
0x6f: {  	s28 =	sadd.s32 $0x1, s28;
	_ =	swait.ge [sflag:s16], $0x2780  }
0x70: {  	p0 =	sne.s32 s28, s14;
	[sflag:s16] =	ssyncset.done $0x0  }
.Ltmp1:
0x71: {  	[sflag:s16] =	ssyncadd.s32 $0xFFFFD880;
	(pc) =	sbr.rel @p0 .LBB2_1-.Ltmp1, $4  }
0x72: {  	[hbm:s13], [sflag:s9] =	dma.local [spmem:s17], $0x278  }
0x73: {  	_ =	swait.ge [sflag:s16], $0x278  }
0x74: {  	[sflag:s16] =	ssyncset.done $0x0  }
0x75: {  	[sflag:s16] =	ssyncadd.s32 $0xFFFFFD88  }
0x76: {  	_ =	sfence.sel $0x180000  }
0x77: {  	[bflag:$0x0] =	sbarrier.arrive $0xFFFF  }
0x78: {  	p0 =	sne.s32 s2, $0x0;
	_ =	strace $0x90000047  }
0x79: {  	s0 =	sadd.s32 @!p0 $0x100000, s0;
	[bflag:$0x2] =	sbarrier.arrive $0xFFFF  }
0x7a: {  	[sflag:s0] =	ssyncadd.tile.s32 @!p0 $0x1;
	_ =	shalt  }
.Lfunc_end2:
_tile_overlayer_lowered:
.L_overlay_start_2:
0x7b: {  	(tag) =	ssettag $0x2  }
0x7c: {  	s0 =	rddreg [dreg:$0x0];
	s2 =	stileid.u32  }
0x7d: {  	s1 =	rddreg [dreg:$0x1];
	p0 =	sne.s32 s2, $0x0  }
0x7e: {  	s3 =	rddreg [dreg:$0x2];
	[bflag:$0x3] =	sbarrier.arrive $0xFFFF;
	s2 =	simm.s32 @!p0 $0x1C04  }
0x7f: {  	[timem:s3], [sflag:s2] =	dma.local @!p0 [hbm:s0], s1  }
0x80: {  	s0 =	simm.s32 @!p0 $0x4  }
0x81: {  	_ =	swait.ge @!p0 [sflag:s0], s1  }
0x82: {  	s1 =	ssub.s32 @!p0 $0x0, s1;
	[sflag:s0] =	ssyncset.done @!p0 $0x0  }
0x83: {  	[sflag:s0] =	ssyncadd.s32 @!p0 s1  }
0x84: {  	[bflag:$0x3] =	sbarrier.arrive $0xFFFF  }
0x85: {  	_ =	shalt  }

</sc_bundles>
